<compile_context>
chip_gen: v7x
topology: tpu7x:2x2x1
jax: 0.10.2.dev20260603
libtpu: 0.0.44.dev20260713+nightly
codegen_flags: <defaults>
</compile_context>

<pallas_src>
import functools

import jax
import jax.numpy as jnp
from jax import lax
from jax.experimental import pallas as pl
from jax.experimental.pallas import tpu as pltpu
from jax.experimental.pallas import tpu_sc as plsc

Q, C, D = 4096, 32, 64
NC, NS, L = 2, 16, 16
NW = NC * NS
QPB = 4
NBT = Q // QPB
NB = NBT // NW
HB = QPB * C // 2
QB = 128
RB = QB * (C // 2)
INVERSE_SIGMA = 10.0

_mesh = plsc.VectorSubcoreMesh(core_axis_name="c", subcore_axis_name="s")


@functools.partial(
    pl.kernel,
    mesh=_mesh,
    compiler_params=pltpu.CompilerParams(
        needs_layout_passes=False, use_tc_tiling_on_sc=False),
    out_type=jax.ShapeDtypeStruct((Q * C // 2, 2 * D), jnp.float32),
    scratch_types=[
        pltpu.VMEM((NB, HB), jnp.int32),
        pltpu.VMEM((NB, HB), jnp.int32),
        pltpu.VMEM((2, HB, D), jnp.float32),
        pltpu.VMEM((2, HB, D), jnp.float32),
        pltpu.SemaphoreType.DMA((2,)),
    ],
)
def _sc_gather(ke_hbm, ko_hbm, X_hbm, out_hbm, ke_v, ko_v, re_v, ro_v, sem):
    wid = lax.axis_index("s") * NC + lax.axis_index("c")
    pltpu.sync_copy(ke_hbm.at[pl.ds(wid * NB, NB)], ke_v)
    pltpu.sync_copy(ko_hbm.at[pl.ds(wid * NB, NB)], ko_v)

    def gathers(b, slot):
        return (
            pltpu.make_async_copy(
                X_hbm.at[ke_v.at[b]], re_v.at[slot], sem.at[slot]),
            pltpu.make_async_copy(
                X_hbm.at[ko_v.at[b]], ro_v.at[slot], sem.at[slot]),
        )

    for cp in gathers(0, 0):
        cp.start()

    def body(i, carry):
        slot = lax.rem(i, 2)
        nxt = lax.rem(i + 1, 2)
        for cp in gathers(jnp.minimum(i + 1, NB - 1), nxt):
            cp.start()
        for cp in gathers(i, slot):
            cp.wait()
        r2 = (wid * NB + i) * HB
        pltpu.sync_copy(re_v.at[slot], out_hbm.at[pl.ds(r2, HB), pl.ds(0, D)])
        pltpu.sync_copy(ro_v.at[slot], out_hbm.at[pl.ds(r2, HB), pl.ds(D, D)])
        return carry

    lax.fori_loop(0, NB, body, 0, unroll=False)
    for cp in gathers(NB - 1, lax.rem(NB, 2)):
        cp.wait()


def _expm1s(z):
    return jnp.where(jnp.abs(z) < 1e-3, z + 0.5 * z * z, jnp.exp(z) - 1.0)


def _tc_body(xk_ref, x_ref, v_ref, o_ref):
    f32 = jnp.float32
    xk = xk_ref[...]
    x2 = x_ref[...]
    v2 = v_ref[...]
    H = C // 2

    def rows(a):
        w = a.shape[-1]
        return jnp.reshape(jnp.broadcast_to(a[:, None, :], (QB, H, w)), (RB, w))

    delta = xk - rows(x2)
    prod = delta * rows(v2)
    d2 = delta * delta
    lane = lax.broadcasted_iota(jnp.int32, (RB, 128), 1)
    left = lane < D
    dl = jnp.sum(jnp.where(left, prod, 0.0), axis=1, keepdims=True)
    dr = jnp.sum(jnp.where(left, 0.0, prod), axis=1, keepdims=True)
    nl = jnp.sum(jnp.where(left, d2, 0.0), axis=1, keepdims=True)
    nr = jnp.sum(jnp.where(left, 0.0, d2), axis=1, keepdims=True)
    laneq = lax.broadcasted_iota(jnp.int32, (QB, 128), 1)
    nv2 = jnp.sum(jnp.where(laneq < D, v2 * v2, 0.0), axis=1, keepdims=True)
    dd = jnp.concatenate([dl, dr], axis=1)
    nn = jnp.concatenate([nl, nr], axis=1)
    s = dd / jnp.maximum(jnp.sqrt(nn * rows(nv2)), 1e-8)
    t = _expm1s(INVERSE_SIGMA * s)

    def seg_sum(a):
        return jnp.sum(jnp.reshape(a, (QB, H, a.shape[-1])), axis=1)

    tsum = jnp.sum(t, axis=1, keepdims=True)
    mean = seg_sum(tsum) * (1.0 / C)
    invs = 1.0 / seg_sum(jnp.sum(jnp.abs(t), axis=1, keepdims=True))
    w = (t - rows(mean)) * rows(invs)
    wfull = jnp.where(left, w[:, 0:1], w[:, 1:2])
    res = seg_sum(xk * wfull)
    o_ref[...] = res[:, :D] + res[:, D:]


def _tc_compute(xk2, x2, v2):
    return pl.pallas_call(
        _tc_body,
        grid=(Q // QB,),
        in_specs=[
            pl.BlockSpec((RB, 2 * D), lambda b: (b, 0)),
            pl.BlockSpec((QB, 2 * D), lambda b: (b, 0)),
            pl.BlockSpec((QB, 2 * D), lambda b: (b, 0)),
        ],
        out_specs=pl.BlockSpec((QB, D), lambda b: (b, 0)),
        out_shape=jax.ShapeDtypeStruct((Q, D), jnp.float32),
    )(xk2, x2, v2)


def kernel(x, v, k, X):
    k2 = k.astype(jnp.int32).reshape(NBT, QPB * C)
    ke = k2[:, 0::2]
    ko = k2[:, 1::2]
    xk2 = _sc_gather(ke, ko, X)
    x2 = jnp.concatenate([x, x], axis=1)
    v2 = jnp.concatenate([v, v], axis=1)
    return _tc_compute(xk2, x2, v2)

# --- scband reference (transcript-rebuilt; emitter-appended) ---
"""Pipeline reference for scband-neighborhood-constraint-27702539059202 (READ-ONLY COPY).

The authoritative reference and input builder live on the scoring server;
editing this copy changes nothing except your own understanding.
"""

import jax, jax.numpy as jnp
import numpy as np

INVERSE_SIGMA = 10

def setup_inputs(seed: int = 0) -> dict:
    key = jax.random.key(seed)
    kx, kv, kk, kX = jax.random.split(key, 4)
    x = jax.random.normal(kx, (4096, 64), dtype=jnp.float32)
    v = jax.random.normal(kv, (4096, 64), dtype=jnp.float32)
    k = jax.random.randint(kk, (4096, 32), 0, 100000, dtype=jnp.int64)
    X = jax.random.normal(kX, (100000, 64), dtype=jnp.float32)
    return {"x": x, "v": v, "k": k, "X": X}

def _cosine_similarity(a, b, eps=1e-8):
    # torch.nn.CosineSimilarity(dim=2) semantics: dot / max(||a||*||b||, eps)
    num = jnp.sum(a * b, axis=-1)
    na = jnp.sqrt(jnp.sum(a * a, axis=-1))
    nb = jnp.sqrt(jnp.sum(b * b, axis=-1))
    return num / jnp.maximum(na * nb, eps)

def reference(x, v, k, X):
    idx = k.astype(jnp.int32)
    Xk = jnp.take(X, idx, axis=0)                 # [Q, C, d] gather from dataset
    deltas = Xk - x[:, None, :]                   # [Q, C, d]
    v_unsq = v[:, None, :]                        # [Q, 1, d]
    cs_scores = _cosine_similarity(v_unsq, deltas)  # [Q, C]
    graph = cs_scores
    Tv = jnp.expm1(graph * INVERSE_SIGMA)
    Tv = Tv / jnp.sum(jnp.abs(Tv), axis=1)[:, None]
    T = Tv
    dX = Xk - x[:, None, :]
    dX = jnp.where(jnp.isnan(dX), 0.0, dX)
    subtractor = jnp.mean(T, axis=1, keepdims=True) * jnp.sum(dX, axis=1)  # [Q, d]
    v_proj = jnp.einsum('ncg,nc->ng', dX, T) - subtractor
    return v_proj

if __name__ == "__main__":
    import jax
    _d = setup_inputs()
    print(jax.jit(kernel)(*tuple(_d.values())))

</pallas_src>

<mosaic_0001>
#map = affine_map<(d0, d1) -> (0, 0)>
module attributes {stable_mosaic.version = 14 : i64} {
  func.func @_sc_gather(%arg0: i32, %arg1: i32, %arg2: memref<1024x64xi32, #tpu.memory_space<hbm>>, %arg3: memref<1024x64xi32, #tpu.memory_space<hbm>>, %arg4: memref<100000x64xf32, #tpu.memory_space<hbm>>, %arg5: memref<65536x128xf32, #tpu.memory_space<hbm>>, %arg6: memref<32x64xi32, #tpu.memory_space<vmem>>, %arg7: memref<32x64xi32, #tpu.memory_space<vmem>>, %arg8: memref<2x64x64xf32, #tpu.memory_space<vmem>>, %arg9: memref<2x64x64xf32, #tpu.memory_space<vmem>>, %arg10: memref<2x!tpu.dma_semaphore, #tpu.memory_space<semaphore_mem>>) attributes {dimension_semantics = [#tpu.dimension_semantics<core_parallel>, #tpu.dimension_semantics<subcore_parallel>], iteration_bounds = array<i64: 2, 16>, scalar_prefetch = 0 : i64, scratch_operands = 5 : i64, tpu.core_type = #tpu.core_type<sc_vector_subcore>, window_params = [{transform_indices = #map}, {transform_indices = #map}, {transform_indices = #map}, {transform_indices = #map}]} {
    %mul3A = arith.constant 2 : i32
    %mul3A_0 = arith.muli %arg1, %mul3A : i32
    %add3A = arith.addi %mul3A_0, %arg0 : i32
    %mul3A_1 = arith.constant 32 : i32
    %mul3A_2 = arith.muli %add3A, %mul3A_1 : i32
    "tpu.region"() ({
      %run_scoped3A = tpu.sem_alloc : memref<!tpu.dma_semaphore, #tpu.memory_space<semaphore_mem>>
      %dma_start3A_66 = arith.constant 0 : i32
      %dma_start3A_67 = tpu.memref_slice %arg2[%mul3A_2, %dma_start3A_66] : memref<1024x64xi32, #tpu.memory_space<hbm>> -> memref<32x64xi32, #tpu.memory_space<hbm>>
      %dma_start3A_68 = arith.constant 0 : i32
      %dma_start3A_69 = tpu.memref_slice %arg2[%mul3A_2, %dma_start3A_68] : memref<1024x64xi32, #tpu.memory_space<hbm>> -> memref<32x64xi32, #tpu.memory_space<hbm>>
      tpu.enqueue_dma source(%dma_start3A_69 : memref<32x64xi32, #tpu.memory_space<hbm>>) target(%arg6 : memref<32x64xi32, #tpu.memory_space<vmem>>) target_semaphore(%run_scoped3A : memref<!tpu.dma_semaphore, #tpu.memory_space<semaphore_mem>>)
      %dma_wait3A_70 = arith.constant 0 : i32
      %dma_wait3A_71 = tpu.memref_slice %arg2[%mul3A_2, %dma_wait3A_70] : memref<1024x64xi32, #tpu.memory_space<hbm>> -> memref<32x64xi32, #tpu.memory_space<hbm>>
      %dma_wait3A_72 = arith.constant 0 : i32
      %dma_wait3A_73 = tpu.memref_slice %arg2[%mul3A_2, %dma_wait3A_72] : memref<1024x64xi32, #tpu.memory_space<hbm>> -> memref<32x64xi32, #tpu.memory_space<hbm>>
      tpu.wait_dma2 semaphore(%run_scoped3A : memref<!tpu.dma_semaphore, #tpu.memory_space<semaphore_mem>>) src(%dma_wait3A_73 : memref<32x64xi32, #tpu.memory_space<hbm>>) dst(%arg6 : memref<32x64xi32, #tpu.memory_space<vmem>>)
      tpu.yield
    }) : () -> ()
    %mul3A_3 = arith.constant 32 : i32
    %mul3A_4 = arith.muli %add3A, %mul3A_3 : i32
    "tpu.region"() ({
      %run_scoped3A = tpu.sem_alloc : memref<!tpu.dma_semaphore, #tpu.memory_space<semaphore_mem>>
      %dma_start3A_66 = arith.constant 0 : i32
      %dma_start3A_67 = tpu.memref_slice %arg3[%mul3A_4, %dma_start3A_66] : memref<1024x64xi32, #tpu.memory_space<hbm>> -> memref<32x64xi32, #tpu.memory_space<hbm>>
      %dma_start3A_68 = arith.constant 0 : i32
      %dma_start3A_69 = tpu.memref_slice %arg3[%mul3A_4, %dma_start3A_68] : memref<1024x64xi32, #tpu.memory_space<hbm>> -> memref<32x64xi32, #tpu.memory_space<hbm>>
      tpu.enqueue_dma source(%dma_start3A_69 : memref<32x64xi32, #tpu.memory_space<hbm>>) target(%arg7 : memref<32x64xi32, #tpu.memory_space<vmem>>) target_semaphore(%run_scoped3A : memref<!tpu.dma_semaphore, #tpu.memory_space<semaphore_mem>>)
      %dma_wait3A_70 = arith.constant 0 : i32
      %dma_wait3A_71 = tpu.memref_slice %arg3[%mul3A_4, %dma_wait3A_70] : memref<1024x64xi32, #tpu.memory_space<hbm>> -> memref<32x64xi32, #tpu.memory_space<hbm>>
      %dma_wait3A_72 = arith.constant 0 : i32
      %dma_wait3A_73 = tpu.memref_slice %arg3[%mul3A_4, %dma_wait3A_72] : memref<1024x64xi32, #tpu.memory_space<hbm>> -> memref<32x64xi32, #tpu.memory_space<hbm>>
      tpu.wait_dma2 semaphore(%run_scoped3A : memref<!tpu.dma_semaphore, #tpu.memory_space<semaphore_mem>>) src(%dma_wait3A_73 : memref<32x64xi32, #tpu.memory_space<hbm>>) dst(%arg7 : memref<32x64xi32, #tpu.memory_space<vmem>>)
      tpu.yield
    }) : () -> ()
    %dma_start3A = arith.constant 0 : i32
    %dma_start3A_5 = arith.constant 0 : i32
    %dma_start3A_6 = arith.constant 0 : i32
    %dma_start3A_7 = arith.constant 0 : i32
    %dma_start3A_8 = arith.constant 0 : i32
    %dma_start3A_9 = tpu.memref_slice %arg8[%dma_start3A_5, %dma_start3A_7, %dma_start3A_8] : memref<2x64x64xf32, #tpu.memory_space<vmem>> -> memref<1x64x64xf32, #tpu.memory_space<vmem>>
    %dma_start3A_10 = tpu.memref_squeeze %dma_start3A_9 : memref<1x64x64xf32, #tpu.memory_space<vmem>> -> memref<64x64xf32, #tpu.memory_space<vmem>>
    %dma_start3A_11 = arith.constant 0 : i32
    %dma_start3A_12 = tpu.memref_slice %arg6[%dma_start3A, %dma_start3A_11] : memref<32x64xi32, #tpu.memory_space<vmem>> -> memref<1x64xi32, #tpu.memory_space<vmem>>
    %dma_start3A_13 = tpu.memref_squeeze %dma_start3A_12 : memref<1x64xi32, #tpu.memory_space<vmem>> -> memref<64xi32, #tpu.memory_space<vmem>>
    %dma_start3A_14 = arith.constant 0 : i32
    %dma_start3A_15 = arith.constant 0 : i32
    %dma_start3A_16 = tpu.memref_slice %arg4[%dma_start3A_14, %dma_start3A_15] : memref<100000x64xf32, #tpu.memory_space<hbm>> -> memref<100000x64xf32, #tpu.memory_space<hbm>>
    %dma_start3A_17 = tpu.memref_slice %arg10[%dma_start3A_6] : memref<2x!tpu.dma_semaphore, #tpu.memory_space<semaphore_mem>> -> memref<1x!tpu.dma_semaphore, #tpu.memory_space<semaphore_mem>>
    %dma_start3A_18 = tpu.memref_squeeze %dma_start3A_17 : memref<1x!tpu.dma_semaphore, #tpu.memory_space<semaphore_mem>> -> memref<!tpu.dma_semaphore, #tpu.memory_space<semaphore_mem>>
    tpu.enqueue_indirect_dma source(%dma_start3A_16 : memref<100000x64xf32, #tpu.memory_space<hbm>>) target(%dma_start3A_10 : memref<64x64xf32, #tpu.memory_space<vmem>>) offsets(%dma_start3A_13 : memref<64xi32, #tpu.memory_space<vmem>>) semaphore(%dma_start3A_18 : memref<!tpu.dma_semaphore, #tpu.memory_space<semaphore_mem>>)
    %dma_start3A_19 = arith.constant 0 : i32
    %dma_start3A_20 = arith.constant 0 : i32
    %dma_start3A_21 = arith.constant 0 : i32
    %dma_start3A_22 = arith.constant 0 : i32
    %dma_start3A_23 = arith.constant 0 : i32
    %dma_start3A_24 = tpu.memref_slice %arg9[%dma_start3A_20, %dma_start3A_22, %dma_start3A_23] : memref<2x64x64xf32, #tpu.memory_space<vmem>> -> memref<1x64x64xf32, #tpu.memory_space<vmem>>
    %dma_start3A_25 = tpu.memref_squeeze %dma_start3A_24 : memref<1x64x64xf32, #tpu.memory_space<vmem>> -> memref<64x64xf32, #tpu.memory_space<vmem>>
    %dma_start3A_26 = arith.constant 0 : i32
    %dma_start3A_27 = tpu.memref_slice %arg7[%dma_start3A_19, %dma_start3A_26] : memref<32x64xi32, #tpu.memory_space<vmem>> -> memref<1x64xi32, #tpu.memory_space<vmem>>
    %dma_start3A_28 = tpu.memref_squeeze %dma_start3A_27 : memref<1x64xi32, #tpu.memory_space<vmem>> -> memref<64xi32, #tpu.memory_space<vmem>>
    %dma_start3A_29 = arith.constant 0 : i32
    %dma_start3A_30 = arith.constant 0 : i32
    %dma_start3A_31 = tpu.memref_slice %arg4[%dma_start3A_29, %dma_start3A_30] : memref<100000x64xf32, #tpu.memory_space<hbm>> -> memref<100000x64xf32, #tpu.memory_space<hbm>>
    %dma_start3A_32 = tpu.memref_slice %arg10[%dma_start3A_21] : memref<2x!tpu.dma_semaphore, #tpu.memory_space<semaphore_mem>> -> memref<1x!tpu.dma_semaphore, #tpu.memory_space<semaphore_mem>>
    %dma_start3A_33 = tpu.memref_squeeze %dma_start3A_32 : memref<1x!tpu.dma_semaphore, #tpu.memory_space<semaphore_mem>> -> memref<!tpu.dma_semaphore, #tpu.memory_space<semaphore_mem>>
    tpu.enqueue_indirect_dma source(%dma_start3A_31 : memref<100000x64xf32, #tpu.memory_space<hbm>>) target(%dma_start3A_25 : memref<64x64xf32, #tpu.memory_space<vmem>>) offsets(%dma_start3A_28 : memref<64xi32, #tpu.memory_space<vmem>>) semaphore(%dma_start3A_33 : memref<!tpu.dma_semaphore, #tpu.memory_space<semaphore_mem>>)
    %scan3A = arith.constant 0 : i32
    %scan3A_34 = arith.constant 0 : i32
    %scan3A_35 = arith.constant 32 : i32
    %scan3A_36 = arith.addi %scan3A_34, %scan3A_35 : i32
    %scan3A_37 = arith.constant 1 : i32
    scf.for %scan3A_66 = %scan3A_34 to %scan3A_36 step %scan3A_37  : i32 {
      %rem3A_67 = arith.constant 2 : i32
      %rem3A_68 = arith.remsi %scan3A_66, %rem3A_67 : i32
      %add3A_69 = arith.constant 1 : i32
      %add3A_70 = arith.addi %scan3A_66, %add3A_69 : i32
      %rem3A_71 = arith.constant 2 : i32
      %rem3A_72 = arith.remsi %add3A_70, %rem3A_71 : i32
      %add3A_73 = arith.constant 1 : i32
      %add3A_74 = arith.addi %scan3A_66, %add3A_73 : i32
      %min3A = arith.constant 31 : i32
      %min3A_75 = arith.minsi %add3A_74, %min3A : i32
      %dma_start3A_76 = arith.constant 0 : i32
      %dma_start3A_77 = arith.constant 0 : i32
      %dma_start3A_78 = tpu.memref_slice %arg8[%rem3A_72, %dma_start3A_76, %dma_start3A_77] : memref<2x64x64xf32, #tpu.memory_space<vmem>> -> memref<1x64x64xf32, #tpu.memory_space<vmem>>
      %dma_start3A_79 = tpu.memref_squeeze %dma_start3A_78 : memref<1x64x64xf32, #tpu.memory_space<vmem>> -> memref<64x64xf32, #tpu.memory_space<vmem>>
      %dma_start3A_80 = arith.constant 0 : i32
      %dma_start3A_81 = tpu.memref_slice %arg6[%min3A_75, %dma_start3A_80] : memref<32x64xi32, #tpu.memory_space<vmem>> -> memref<1x64xi32, #tpu.memory_space<vmem>>
      %dma_start3A_82 = tpu.memref_squeeze %dma_start3A_81 : memref<1x64xi32, #tpu.memory_space<vmem>> -> memref<64xi32, #tpu.memory_space<vmem>>
      %dma_start3A_83 = arith.constant 0 : i32
      %dma_start3A_84 = arith.constant 0 : i32
      %dma_start3A_85 = tpu.memref_slice %arg4[%dma_start3A_83, %dma_start3A_84] : memref<100000x64xf32, #tpu.memory_space<hbm>> -> memref<100000x64xf32, #tpu.memory_space<hbm>>
      %dma_start3A_86 = tpu.memref_slice %arg10[%rem3A_72] : memref<2x!tpu.dma_semaphore, #tpu.memory_space<semaphore_mem>> -> memref<1x!tpu.dma_semaphore, #tpu.memory_space<semaphore_mem>>
      %dma_start3A_87 = tpu.memref_squeeze %dma_start3A_86 : memref<1x!tpu.dma_semaphore, #tpu.memory_space<semaphore_mem>> -> memref<!tpu.dma_semaphore, #tpu.memory_space<semaphore_mem>>
      tpu.enqueue_indirect_dma source(%dma_start3A_85 : memref<100000x64xf32, #tpu.memory_space<hbm>>) target(%dma_start3A_79 : memref<64x64xf32, #tpu.memory_space<vmem>>) offsets(%dma_start3A_82 : memref<64xi32, #tpu.memory_space<vmem>>) semaphore(%dma_start3A_87 : memref<!tpu.dma_semaphore, #tpu.memory_space<semaphore_mem>>)
      %dma_start3A_88 = arith.constant 0 : i32
      %dma_start3A_89 = arith.constant 0 : i32
      %dma_start3A_90 = tpu.memref_slice %arg9[%rem3A_72, %dma_start3A_88, %dma_start3A_89] : memref<2x64x64xf32, #tpu.memory_space<vmem>> -> memref<1x64x64xf32, #tpu.memory_space<vmem>>
      %dma_start3A_91 = tpu.memref_squeeze %dma_start3A_90 : memref<1x64x64xf32, #tpu.memory_space<vmem>> -> memref<64x64xf32, #tpu.memory_space<vmem>>
      %dma_start3A_92 = arith.constant 0 : i32
      %dma_start3A_93 = tpu.memref_slice %arg7[%min3A_75, %dma_start3A_92] : memref<32x64xi32, #tpu.memory_space<vmem>> -> memref<1x64xi32, #tpu.memory_space<vmem>>
      %dma_start3A_94 = tpu.memref_squeeze %dma_start3A_93 : memref<1x64xi32, #tpu.memory_space<vmem>> -> memref<64xi32, #tpu.memory_space<vmem>>
      %dma_start3A_95 = arith.constant 0 : i32
      %dma_start3A_96 = arith.constant 0 : i32
      %dma_start3A_97 = tpu.memref_slice %arg4[%dma_start3A_95, %dma_start3A_96] : memref<100000x64xf32, #tpu.memory_space<hbm>> -> memref<100000x64xf32, #tpu.memory_space<hbm>>
      %dma_start3A_98 = tpu.memref_slice %arg10[%rem3A_72] : memref<2x!tpu.dma_semaphore, #tpu.memory_space<semaphore_mem>> -> memref<1x!tpu.dma_semaphore, #tpu.memory_space<semaphore_mem>>
      %dma_start3A_99 = tpu.memref_squeeze %dma_start3A_98 : memref<1x!tpu.dma_semaphore, #tpu.memory_space<semaphore_mem>> -> memref<!tpu.dma_semaphore, #tpu.memory_space<semaphore_mem>>
      tpu.enqueue_indirect_dma source(%dma_start3A_97 : memref<100000x64xf32, #tpu.memory_space<hbm>>) target(%dma_start3A_91 : memref<64x64xf32, #tpu.memory_space<vmem>>) offsets(%dma_start3A_94 : memref<64xi32, #tpu.memory_space<vmem>>) semaphore(%dma_start3A_99 : memref<!tpu.dma_semaphore, #tpu.memory_space<semaphore_mem>>)
      %dma_wait3A_100 = arith.constant 0 : i32
      %dma_wait3A_101 = arith.constant 0 : i32
      %dma_wait3A_102 = tpu.memref_slice %arg8[%rem3A_68, %dma_wait3A_100, %dma_wait3A_101] : memref<2x64x64xf32, #tpu.memory_space<vmem>> -> memref<1x64x64xf32, #tpu.memory_space<vmem>>
      %dma_wait3A_103 = tpu.memref_squeeze %dma_wait3A_102 : memref<1x64x64xf32, #tpu.memory_space<vmem>> -> memref<64x64xf32, #tpu.memory_space<vmem>>
      %dma_wait3A_104 = arith.constant 0 : i32
      %dma_wait3A_105 = tpu.memref_slice %arg6[%scan3A_66, %dma_wait3A_104] : memref<32x64xi32, #tpu.memory_space<vmem>> -> memref<1x64xi32, #tpu.memory_space<vmem>>
      %dma_wait3A_106 = tpu.memref_squeeze %dma_wait3A_105 : memref<1x64xi32, #tpu.memory_space<vmem>> -> memref<64xi32, #tpu.memory_space<vmem>>
      %dma_wait3A_107 = arith.constant 0 : i32
      %dma_wait3A_108 = arith.constant 0 : i32
      %dma_wait3A_109 = tpu.memref_slice %arg4[%dma_wait3A_107, %dma_wait3A_108] : memref<100000x64xf32, #tpu.memory_space<hbm>> -> memref<100000x64xf32, #tpu.memory_space<hbm>>
      %dma_wait3A_110 = tpu.memref_slice %arg10[%rem3A_68] : memref<2x!tpu.dma_semaphore, #tpu.memory_space<semaphore_mem>> -> memref<1x!tpu.dma_semaphore, #tpu.memory_space<semaphore_mem>>
      %dma_wait3A_111 = tpu.memref_squeeze %dma_wait3A_110 : memref<1x!tpu.dma_semaphore, #tpu.memory_space<semaphore_mem>> -> memref<!tpu.dma_semaphore, #tpu.memory_space<semaphore_mem>>
      tpu.wait_indirect_dma semaphore(%dma_wait3A_111 : memref<!tpu.dma_semaphore, #tpu.memory_space<semaphore_mem>>) src(%dma_wait3A_109 : memref<100000x64xf32, #tpu.memory_space<hbm>>) dst(%dma_wait3A_103 : memref<64x64xf32, #tpu.memory_space<vmem>>)
      %dma_wait3A_112 = arith.constant 0 : i32
      %dma_wait3A_113 = arith.constant 0 : i32
      %dma_wait3A_114 = tpu.memref_slice %arg9[%rem3A_68, %dma_wait3A_112, %dma_wait3A_113] : memref<2x64x64xf32, #tpu.memory_space<vmem>> -> memref<1x64x64xf32, #tpu.memory_space<vmem>>
      %dma_wait3A_115 = tpu.memref_squeeze %dma_wait3A_114 : memref<1x64x64xf32, #tpu.memory_space<vmem>> -> memref<64x64xf32, #tpu.memory_space<vmem>>
      %dma_wait3A_116 = arith.constant 0 : i32
      %dma_wait3A_117 = tpu.memref_slice %arg7[%scan3A_66, %dma_wait3A_116] : memref<32x64xi32, #tpu.memory_space<vmem>> -> memref<1x64xi32, #tpu.memory_space<vmem>>
      %dma_wait3A_118 = tpu.memref_squeeze %dma_wait3A_117 : memref<1x64xi32, #tpu.memory_space<vmem>> -> memref<64xi32, #tpu.memory_space<vmem>>
      %dma_wait3A_119 = arith.constant 0 : i32
      %dma_wait3A_120 = arith.constant 0 : i32
      %dma_wait3A_121 = tpu.memref_slice %arg4[%dma_wait3A_119, %dma_wait3A_120] : memref<100000x64xf32, #tpu.memory_space<hbm>> -> memref<100000x64xf32, #tpu.memory_space<hbm>>
      %dma_wait3A_122 = tpu.memref_slice %arg10[%rem3A_68] : memref<2x!tpu.dma_semaphore, #tpu.memory_space<semaphore_mem>> -> memref<1x!tpu.dma_semaphore, #tpu.memory_space<semaphore_mem>>
      %dma_wait3A_123 = tpu.memref_squeeze %dma_wait3A_122 : memref<1x!tpu.dma_semaphore, #tpu.memory_space<semaphore_mem>> -> memref<!tpu.dma_semaphore, #tpu.memory_space<semaphore_mem>>
      tpu.wait_indirect_dma semaphore(%dma_wait3A_123 : memref<!tpu.dma_semaphore, #tpu.memory_space<semaphore_mem>>) src(%dma_wait3A_121 : memref<100000x64xf32, #tpu.memory_space<hbm>>) dst(%dma_wait3A_115 : memref<64x64xf32, #tpu.memory_space<vmem>>)
      %mul3A_124 = arith.constant 32 : i32
      %mul3A_125 = arith.muli %add3A, %mul3A_124 : i32
      %add3A_126 = arith.addi %mul3A_125, %scan3A_66 : i32
      %mul3A_127 = arith.constant 64 : i32
      %mul3A_128 = arith.muli %add3A_126, %mul3A_127 : i32
      "tpu.region"() ({
        %run_scoped3A = tpu.sem_alloc : memref<!tpu.dma_semaphore, #tpu.memory_space<semaphore_mem>>
        %dma_start3A_129 = arith.constant 0 : i32
        %dma_start3A_130 = arith.constant 0 : i32
        %dma_start3A_131 = tpu.memref_slice %arg8[%rem3A_68, %dma_start3A_129, %dma_start3A_130] : memref<2x64x64xf32, #tpu.memory_space<vmem>> -> memref<1x64x64xf32, #tpu.memory_space<vmem>>
        %dma_start3A_132 = tpu.memref_squeeze %dma_start3A_131 : memref<1x64x64xf32, #tpu.memory_space<vmem>> -> memref<64x64xf32, #tpu.memory_space<vmem>>
        %dma_start3A_133 = arith.constant 0 : i32
        %dma_start3A_134 = tpu.memref_slice %arg5[%mul3A_128, %dma_start3A_133] : memref<65536x128xf32, #tpu.memory_space<hbm>> -> memref<64x64xf32, #tpu.memory_space<hbm>>
        %dma_start3A_135 = arith.constant 0 : i32
        %dma_start3A_136 = tpu.memref_slice %arg5[%mul3A_128, %dma_start3A_135] : memref<65536x128xf32, #tpu.memory_space<hbm>> -> memref<64x64xf32, #tpu.memory_space<hbm>>
        %dma_start3A_137 = arith.constant 0 : i32
        %dma_start3A_138 = arith.constant 0 : i32
        %dma_start3A_139 = tpu.memref_slice %arg8[%rem3A_68, %dma_start3A_137, %dma_start3A_138] : memref<2x64x64xf32, #tpu.memory_space<vmem>> -> memref<1x64x64xf32, #tpu.memory_space<vmem>>
        %dma_start3A_140 = tpu.memref_squeeze %dma_start3A_139 : memref<1x64x64xf32, #tpu.memory_space<vmem>> -> memref<64x64xf32, #tpu.memory_space<vmem>>
        tpu.enqueue_dma source(%dma_start3A_140 : memref<64x64xf32, #tpu.memory_space<vmem>>) target(%dma_start3A_136 : memref<64x64xf32, #tpu.memory_space<hbm>>) target_semaphore(%run_scoped3A : memref<!tpu.dma_semaphore, #tpu.memory_space<semaphore_mem>>)
        %dma_wait3A_141 = arith.constant 0 : i32
        %dma_wait3A_142 = arith.constant 0 : i32
        %dma_wait3A_143 = tpu.memref_slice %arg8[%rem3A_68, %dma_wait3A_141, %dma_wait3A_142] : memref<2x64x64xf32, #tpu.memory_space<vmem>> -> memref<1x64x64xf32, #tpu.memory_space<vmem>>
        %dma_wait3A_144 = tpu.memref_squeeze %dma_wait3A_143 : memref<1x64x64xf32, #tpu.memory_space<vmem>> -> memref<64x64xf32, #tpu.memory_space<vmem>>
        %dma_wait3A_145 = arith.constant 0 : i32
        %dma_wait3A_146 = tpu.memref_slice %arg5[%mul3A_128, %dma_wait3A_145] : memref<65536x128xf32, #tpu.memory_space<hbm>> -> memref<64x64xf32, #tpu.memory_space<hbm>>
        %dma_wait3A_147 = arith.constant 0 : i32
        %dma_wait3A_148 = tpu.memref_slice %arg5[%mul3A_128, %dma_wait3A_147] : memref<65536x128xf32, #tpu.memory_space<hbm>> -> memref<64x64xf32, #tpu.memory_space<hbm>>
        %dma_wait3A_149 = arith.constant 0 : i32
        %dma_wait3A_150 = arith.constant 0 : i32
        %dma_wait3A_151 = tpu.memref_slice %arg8[%rem3A_68, %dma_wait3A_149, %dma_wait3A_150] : memref<2x64x64xf32, #tpu.memory_space<vmem>> -> memref<1x64x64xf32, #tpu.memory_space<vmem>>
        %dma_wait3A_152 = tpu.memref_squeeze %dma_wait3A_151 : memref<1x64x64xf32, #tpu.memory_space<vmem>> -> memref<64x64xf32, #tpu.memory_space<vmem>>
        tpu.wait_dma2 semaphore(%run_scoped3A : memref<!tpu.dma_semaphore, #tpu.memory_space<semaphore_mem>>) src(%dma_wait3A_152 : memref<64x64xf32, #tpu.memory_space<vmem>>) dst(%dma_wait3A_148 : memref<64x64xf32, #tpu.memory_space<hbm>>)
        tpu.yield
      }) : () -> ()
      "tpu.region"() ({
        %run_scoped3A = tpu.sem_alloc : memref<!tpu.dma_semaphore, #tpu.memory_space<semaphore_mem>>
        %dma_start3A_129 = arith.constant 0 : i32
        %dma_start3A_130 = arith.constant 0 : i32
        %dma_start3A_131 = tpu.memref_slice %arg9[%rem3A_68, %dma_start3A_129, %dma_start3A_130] : memref<2x64x64xf32, #tpu.memory_space<vmem>> -> memref<1x64x64xf32, #tpu.memory_space<vmem>>
        %dma_start3A_132 = tpu.memref_squeeze %dma_start3A_131 : memref<1x64x64xf32, #tpu.memory_space<vmem>> -> memref<64x64xf32, #tpu.memory_space<vmem>>
        %dma_start3A_133 = arith.constant 64 : i32
        %dma_start3A_134 = tpu.memref_slice %arg5[%mul3A_128, %dma_start3A_133] : memref<65536x128xf32, #tpu.memory_space<hbm>> -> memref<64x64xf32, #tpu.memory_space<hbm>>
        %dma_start3A_135 = arith.constant 64 : i32
        %dma_start3A_136 = tpu.memref_slice %arg5[%mul3A_128, %dma_start3A_135] : memref<65536x128xf32, #tpu.memory_space<hbm>> -> memref<64x64xf32, #tpu.memory_space<hbm>>
        %dma_start3A_137 = arith.constant 0 : i32
        %dma_start3A_138 = arith.constant 0 : i32
        %dma_start3A_139 = tpu.memref_slice %arg9[%rem3A_68, %dma_start3A_137, %dma_start3A_138] : memref<2x64x64xf32, #tpu.memory_space<vmem>> -> memref<1x64x64xf32, #tpu.memory_space<vmem>>
        %dma_start3A_140 = tpu.memref_squeeze %dma_start3A_139 : memref<1x64x64xf32, #tpu.memory_space<vmem>> -> memref<64x64xf32, #tpu.memory_space<vmem>>
        tpu.enqueue_dma source(%dma_start3A_140 : memref<64x64xf32, #tpu.memory_space<vmem>>) target(%dma_start3A_136 : memref<64x64xf32, #tpu.memory_space<hbm>>) target_semaphore(%run_scoped3A : memref<!tpu.dma_semaphore, #tpu.memory_space<semaphore_mem>>)
        %dma_wait3A_141 = arith.constant 0 : i32
        %dma_wait3A_142 = arith.constant 0 : i32
        %dma_wait3A_143 = tpu.memref_slice %arg9[%rem3A_68, %dma_wait3A_141, %dma_wait3A_142] : memref<2x64x64xf32, #tpu.memory_space<vmem>> -> memref<1x64x64xf32, #tpu.memory_space<vmem>>
        %dma_wait3A_144 = tpu.memref_squeeze %dma_wait3A_143 : memref<1x64x64xf32, #tpu.memory_space<vmem>> -> memref<64x64xf32, #tpu.memory_space<vmem>>
        %dma_wait3A_145 = arith.constant 64 : i32
        %dma_wait3A_146 = tpu.memref_slice %arg5[%mul3A_128, %dma_wait3A_145] : memref<65536x128xf32, #tpu.memory_space<hbm>> -> memref<64x64xf32, #tpu.memory_space<hbm>>
        %dma_wait3A_147 = arith.constant 64 : i32
        %dma_wait3A_148 = tpu.memref_slice %arg5[%mul3A_128, %dma_wait3A_147] : memref<65536x128xf32, #tpu.memory_space<hbm>> -> memref<64x64xf32, #tpu.memory_space<hbm>>
        %dma_wait3A_149 = arith.constant 0 : i32
        %dma_wait3A_150 = arith.constant 0 : i32
        %dma_wait3A_151 = tpu.memref_slice %arg9[%rem3A_68, %dma_wait3A_149, %dma_wait3A_150] : memref<2x64x64xf32, #tpu.memory_space<vmem>> -> memref<1x64x64xf32, #tpu.memory_space<vmem>>
        %dma_wait3A_152 = tpu.memref_squeeze %dma_wait3A_151 : memref<1x64x64xf32, #tpu.memory_space<vmem>> -> memref<64x64xf32, #tpu.memory_space<vmem>>
        tpu.wait_dma2 semaphore(%run_scoped3A : memref<!tpu.dma_semaphore, #tpu.memory_space<semaphore_mem>>) src(%dma_wait3A_152 : memref<64x64xf32, #tpu.memory_space<vmem>>) dst(%dma_wait3A_148 : memref<64x64xf32, #tpu.memory_space<hbm>>)
        tpu.yield
      }) : () -> ()
    }
    %scan3A_38 = arith.constant 32 : i32
    %rem3A = arith.constant 32 : i32
    %rem3A_39 = arith.constant 2 : i32
    %rem3A_40 = arith.remsi %rem3A, %rem3A_39 : i32
    %dma_wait3A = arith.constant 31 : i32
    %dma_wait3A_41 = arith.constant 0 : i32
    %dma_wait3A_42 = arith.constant 0 : i32
    %dma_wait3A_43 = tpu.memref_slice %arg8[%rem3A_40, %dma_wait3A_41, %dma_wait3A_42] : memref<2x64x64xf32, #tpu.memory_space<vmem>> -> memref<1x64x64xf32, #tpu.memory_space<vmem>>
    %dma_wait3A_44 = tpu.memref_squeeze %dma_wait3A_43 : memref<1x64x64xf32, #tpu.memory_space<vmem>> -> memref<64x64xf32, #tpu.memory_space<vmem>>
    %dma_wait3A_45 = arith.constant 0 : i32
    %dma_wait3A_46 = tpu.memref_slice %arg6[%dma_wait3A, %dma_wait3A_45] : memref<32x64xi32, #tpu.memory_space<vmem>> -> memref<1x64xi32, #tpu.memory_space<vmem>>
    %dma_wait3A_47 = tpu.memref_squeeze %dma_wait3A_46 : memref<1x64xi32, #tpu.memory_space<vmem>> -> memref<64xi32, #tpu.memory_space<vmem>>
    %dma_wait3A_48 = arith.constant 0 : i32
    %dma_wait3A_49 = arith.constant 0 : i32
    %dma_wait3A_50 = tpu.memref_slice %arg4[%dma_wait3A_48, %dma_wait3A_49] : memref<100000x64xf32, #tpu.memory_space<hbm>> -> memref<100000x64xf32, #tpu.memory_space<hbm>>
    %dma_wait3A_51 = tpu.memref_slice %arg10[%rem3A_40] : memref<2x!tpu.dma_semaphore, #tpu.memory_space<semaphore_mem>> -> memref<1x!tpu.dma_semaphore, #tpu.memory_space<semaphore_mem>>
    %dma_wait3A_52 = tpu.memref_squeeze %dma_wait3A_51 : memref<1x!tpu.dma_semaphore, #tpu.memory_space<semaphore_mem>> -> memref<!tpu.dma_semaphore, #tpu.memory_space<semaphore_mem>>
    tpu.wait_indirect_dma semaphore(%dma_wait3A_52 : memref<!tpu.dma_semaphore, #tpu.memory_space<semaphore_mem>>) src(%dma_wait3A_50 : memref<100000x64xf32, #tpu.memory_space<hbm>>) dst(%dma_wait3A_44 : memref<64x64xf32, #tpu.memory_space<vmem>>)
    %dma_wait3A_53 = arith.constant 31 : i32
    %dma_wait3A_54 = arith.constant 0 : i32
    %dma_wait3A_55 = arith.constant 0 : i32
    %dma_wait3A_56 = tpu.memref_slice %arg9[%rem3A_40, %dma_wait3A_54, %dma_wait3A_55] : memref<2x64x64xf32, #tpu.memory_space<vmem>> -> memref<1x64x64xf32, #tpu.memory_space<vmem>>
    %dma_wait3A_57 = tpu.memref_squeeze %dma_wait3A_56 : memref<1x64x64xf32, #tpu.memory_space<vmem>> -> memref<64x64xf32, #tpu.memory_space<vmem>>
    %dma_wait3A_58 = arith.constant 0 : i32
    %dma_wait3A_59 = tpu.memref_slice %arg7[%dma_wait3A_53, %dma_wait3A_58] : memref<32x64xi32, #tpu.memory_space<vmem>> -> memref<1x64xi32, #tpu.memory_space<vmem>>
    %dma_wait3A_60 = tpu.memref_squeeze %dma_wait3A_59 : memref<1x64xi32, #tpu.memory_space<vmem>> -> memref<64xi32, #tpu.memory_space<vmem>>
    %dma_wait3A_61 = arith.constant 0 : i32
    %dma_wait3A_62 = arith.constant 0 : i32
    %dma_wait3A_63 = tpu.memref_slice %arg4[%dma_wait3A_61, %dma_wait3A_62] : memref<100000x64xf32, #tpu.memory_space<hbm>> -> memref<100000x64xf32, #tpu.memory_space<hbm>>
    %dma_wait3A_64 = tpu.memref_slice %arg10[%rem3A_40] : memref<2x!tpu.dma_semaphore, #tpu.memory_space<semaphore_mem>> -> memref<1x!tpu.dma_semaphore, #tpu.memory_space<semaphore_mem>>
    %dma_wait3A_65 = tpu.memref_squeeze %dma_wait3A_64 : memref<1x!tpu.dma_semaphore, #tpu.memory_space<semaphore_mem>> -> memref<!tpu.dma_semaphore, #tpu.memory_space<semaphore_mem>>
    tpu.wait_indirect_dma semaphore(%dma_wait3A_65 : memref<!tpu.dma_semaphore, #tpu.memory_space<semaphore_mem>>) src(%dma_wait3A_63 : memref<100000x64xf32, #tpu.memory_space<hbm>>) dst(%dma_wait3A_57 : memref<64x64xf32, #tpu.memory_space<vmem>>)
    return
  }
}

module attributes {stable_mosaic.version = 14 : i64} {
  func.func @_tc_body(%arg0: i32, %arg1: memref<2048x128xf32, #tpu.memory_space<vmem>>, %arg2: memref<128x128xf32, #tpu.memory_space<vmem>>, %arg3: memref<128x128xf32, #tpu.memory_space<vmem>>, %arg4: memref<128x64xf32, #tpu.memory_space<vmem>>) attributes {dimension_semantics = [#tpu.dimension_semantics<arbitrary>], iteration_bounds = array<i64: 32>, scalar_prefetch = 0 : i64, scratch_operands = 0 : i64, tpu.core_type = #tpu.core_type<tc>, window_params = [{transform_indices = @transform_0, window_bounds = array<i64: 2048, 128>}, {transform_indices = @transform_1, window_bounds = array<i64: 128, 128>}, {transform_indices = @transform_2, window_bounds = array<i64: 128, 128>}, {transform_indices = @transform_3, window_bounds = array<i64: 128, 64>}]} {
    %get3A = arith.constant 0 : index
    %get3A_0 = arith.constant 0 : index
    %get3A_1 = vector.load %arg1[%get3A, %get3A_0] : memref<2048x128xf32, #tpu.memory_space<vmem>>, vector<2048x128xf32>
    %get3A_2 = arith.constant 0 : index
    %get3A_3 = arith.constant 0 : index
    %get3A_4 = vector.load %arg2[%get3A_2, %get3A_3] : memref<128x128xf32, #tpu.memory_space<vmem>>, vector<128x128xf32>
    %get3A_5 = arith.constant 0 : index
    %get3A_6 = arith.constant 0 : index
    %get3A_7 = vector.load %arg3[%get3A_5, %get3A_6] : memref<128x128xf32, #tpu.memory_space<vmem>>, vector<128x128xf32>
    %broadcast_in_dim3A = vector.shape_cast %get3A_4 : vector<128x128xf32> to vector<128x1x128xf32>
    %broadcast_in_dim3A_8 = vector.shape_cast %broadcast_in_dim3A : vector<128x1x128xf32> to vector<128x1x128xf32>
    %broadcast_in_dim3A_9 = vector.broadcast %broadcast_in_dim3A_8 : vector<128x1x128xf32> to vector<128x16x128xf32>
    %reshape3A = vector.shape_cast %broadcast_in_dim3A_9 : vector<128x16x128xf32> to vector<2048x128xf32>
    %sub3A = arith.subf %get3A_1, %reshape3A : vector<2048x128xf32>
    %broadcast_in_dim3A_10 = vector.shape_cast %get3A_7 : vector<128x128xf32> to vector<128x1x128xf32>
    %broadcast_in_dim3A_11 = vector.shape_cast %broadcast_in_dim3A_10 : vector<128x1x128xf32> to vector<128x1x128xf32>
    %broadcast_in_dim3A_12 = vector.broadcast %broadcast_in_dim3A_11 : vector<128x1x128xf32> to vector<128x16x128xf32>
    %reshape3A_13 = vector.shape_cast %broadcast_in_dim3A_12 : vector<128x16x128xf32> to vector<2048x128xf32>
    %mul3A = arith.mulf %sub3A, %reshape3A_13 : vector<2048x128xf32>
    %mul3A_14 = arith.mulf %sub3A, %sub3A : vector<2048x128xf32>
    %iota3A = tpu.iota {dimensions = array<i32: 1>} : vector<2048x128xi32>
    %lt3A = arith.constant 64 : i32
    %lt3A_15 = vector.broadcast %lt3A : i32 to vector<2048x128xi32>
    %lt3A_16 = arith.cmpi slt, %iota3A, %lt3A_15 : vector<2048x128xi32>
    %jit3A = arith.constant 0.000000e+00 : f32
    %broadcast_in_dim3A_17 = vector.broadcast %jit3A : f32 to vector<2048x128xf32>
    %select_n3A = arith.select %lt3A_16, %mul3A, %broadcast_in_dim3A_17 : vector<2048x128xi1>, vector<2048x128xf32>
    %reduce_sum3A = arith.constant dense<0.000000e+00> : vector<2048xf32>
    %reduce_sum3A_18 = vector.multi_reduction <add>, %select_n3A, %reduce_sum3A [1] : vector<2048x128xf32> to vector<2048xf32>
    %broadcast_in_dim3A_19 = vector.shape_cast %reduce_sum3A_18 : vector<2048xf32> to vector<2048x1xf32>
    %jit3A_20 = arith.constant 0.000000e+00 : f32
    %broadcast_in_dim3A_21 = vector.broadcast %jit3A_20 : f32 to vector<2048x128xf32>
    %select_n3A_22 = arith.select %lt3A_16, %broadcast_in_dim3A_21, %mul3A : vector<2048x128xi1>, vector<2048x128xf32>
    %reduce_sum3A_23 = arith.constant dense<0.000000e+00> : vector<2048xf32>
    %reduce_sum3A_24 = vector.multi_reduction <add>, %select_n3A_22, %reduce_sum3A_23 [1] : vector<2048x128xf32> to vector<2048xf32>
    %broadcast_in_dim3A_25 = vector.shape_cast %reduce_sum3A_24 : vector<2048xf32> to vector<2048x1xf32>
    %jit3A_26 = arith.constant 0.000000e+00 : f32
    %broadcast_in_dim3A_27 = vector.broadcast %jit3A_26 : f32 to vector<2048x128xf32>
    %select_n3A_28 = arith.select %lt3A_16, %mul3A_14, %broadcast_in_dim3A_27 : vector<2048x128xi1>, vector<2048x128xf32>
    %reduce_sum3A_29 = arith.constant dense<0.000000e+00> : vector<2048xf32>
    %reduce_sum3A_30 = vector.multi_reduction <add>, %select_n3A_28, %reduce_sum3A_29 [1] : vector<2048x128xf32> to vector<2048xf32>
    %broadcast_in_dim3A_31 = vector.shape_cast %reduce_sum3A_30 : vector<2048xf32> to vector<2048x1xf32>
    %jit3A_32 = arith.constant 0.000000e+00 : f32
    %broadcast_in_dim3A_33 = vector.broadcast %jit3A_32 : f32 to vector<2048x128xf32>
    %select_n3A_34 = arith.select %lt3A_16, %broadcast_in_dim3A_33, %mul3A_14 : vector<2048x128xi1>, vector<2048x128xf32>
    %reduce_sum3A_35 = arith.constant dense<0.000000e+00> : vector<2048xf32>
    %reduce_sum3A_36 = vector.multi_reduction <add>, %select_n3A_34, %reduce_sum3A_35 [1] : vector<2048x128xf32> to vector<2048xf32>
    %broadcast_in_dim3A_37 = vector.shape_cast %reduce_sum3A_36 : vector<2048xf32> to vector<2048x1xf32>
    %iota3A_38 = tpu.iota {dimensions = array<i32: 1>} : vector<128x128xi32>
    %lt3A_39 = arith.constant 64 : i32
    %lt3A_40 = vector.broadcast %lt3A_39 : i32 to vector<128x128xi32>
    %lt3A_41 = arith.cmpi slt, %iota3A_38, %lt3A_40 : vector<128x128xi32>
    %mul3A_42 = arith.mulf %get3A_7, %get3A_7 : vector<128x128xf32>
    %jit3A_43 = arith.constant 0.000000e+00 : f32
    %broadcast_in_dim3A_44 = vector.broadcast %jit3A_43 : f32 to vector<128x128xf32>
    %select_n3A_45 = arith.select %lt3A_41, %mul3A_42, %broadcast_in_dim3A_44 : vector<128x128xi1>, vector<128x128xf32>
    %reduce_sum3A_46 = arith.constant dense<0.000000e+00> : vector<128xf32>
    %reduce_sum3A_47 = vector.multi_reduction <add>, %select_n3A_45, %reduce_sum3A_46 [1] : vector<128x128xf32> to vector<128xf32>
    %broadcast_in_dim3A_48 = vector.shape_cast %reduce_sum3A_47 : vector<128xf32> to vector<128x1xf32>
    %concatenate3A = tpu.concatenate %broadcast_in_dim3A_19, %broadcast_in_dim3A_25 in 1 : vector<2048x1xf32>, vector<2048x1xf32> -> vector<2048x2xf32>
    %concatenate3A_49 = tpu.concatenate %broadcast_in_dim3A_31, %broadcast_in_dim3A_37 in 1 : vector<2048x1xf32>, vector<2048x1xf32> -> vector<2048x2xf32>
    %broadcast_in_dim3A_50 = vector.shape_cast %broadcast_in_dim3A_48 : vector<128x1xf32> to vector<128x1x1xf32>
    %broadcast_in_dim3A_51 = vector.shape_cast %broadcast_in_dim3A_50 : vector<128x1x1xf32> to vector<128x1x1xf32>
    %broadcast_in_dim3A_52 = vector.broadcast %broadcast_in_dim3A_51 : vector<128x1x1xf32> to vector<128x16x1xf32>
    %reshape3A_53 = vector.shape_cast %broadcast_in_dim3A_52 : vector<128x16x1xf32> to vector<2048x1xf32>
    %mul3A_54 = vector.broadcast %reshape3A_53 : vector<2048x1xf32> to vector<2048x2xf32>
    %mul3A_55 = arith.mulf %concatenate3A_49, %mul3A_54 : vector<2048x2xf32>
    %sqrt3A = math.sqrt %mul3A_55 : vector<2048x2xf32>
    %max3A = arith.constant 9.99999993E-9 : f32
    %max3A_56 = vector.broadcast %max3A : f32 to vector<2048x2xf32>
    %max3A_57 = arith.maximumf %sqrt3A, %max3A_56 : vector<2048x2xf32>
    %div3A = arith.divf %concatenate3A, %max3A_57 : vector<2048x2xf32>
    %mul3A_58 = arith.constant 1.000000e+01 : f32
    %mul3A_59 = vector.broadcast %mul3A_58 : f32 to vector<2048x2xf32>
    %mul3A_60 = arith.mulf %mul3A_59, %div3A : vector<2048x2xf32>
    %abs3A = math.absf %mul3A_60 : vector<2048x2xf32>
    %lt3A_61 = arith.constant 1.000000e-03 : f32
    %lt3A_62 = vector.broadcast %lt3A_61 : f32 to vector<2048x2xf32>
    %lt3A_63 = arith.cmpf olt, %abs3A, %lt3A_62 : vector<2048x2xf32>
    %mul3A_64 = arith.constant 5.000000e-01 : f32
    %mul3A_65 = vector.broadcast %mul3A_64 : f32 to vector<2048x2xf32>
    %mul3A_66 = arith.mulf %mul3A_65, %mul3A_60 : vector<2048x2xf32>
    %mul3A_67 = arith.mulf %mul3A_66, %mul3A_60 : vector<2048x2xf32>
    %add3A = arith.addf %mul3A_60, %mul3A_67 : vector<2048x2xf32>
    %exp3A = math.exp %mul3A_60 : vector<2048x2xf32>
    %sub3A_68 = arith.constant 1.000000e+00 : f32
    %sub3A_69 = vector.broadcast %sub3A_68 : f32 to vector<2048x2xf32>
    %sub3A_70 = arith.subf %exp3A, %sub3A_69 : vector<2048x2xf32>
    %select_n3A_71 = arith.select %lt3A_63, %add3A, %sub3A_70 : vector<2048x2xi1>, vector<2048x2xf32>
    %reduce_sum3A_72 = arith.constant dense<0.000000e+00> : vector<2048xf32>
    %reduce_sum3A_73 = vector.multi_reduction <add>, %select_n3A_71, %reduce_sum3A_72 [1] : vector<2048x2xf32> to vector<2048xf32>
    %broadcast_in_dim3A_74 = vector.shape_cast %reduce_sum3A_73 : vector<2048xf32> to vector<2048x1xf32>
    %reshape3A_75 = vector.shape_cast %broadcast_in_dim3A_74 : vector<2048x1xf32> to vector<128x16x1xf32>
    %reduce_sum3A_76 = arith.constant dense<0.000000e+00> : vector<128x1xf32>
    %reduce_sum3A_77 = vector.multi_reduction <add>, %reshape3A_75, %reduce_sum3A_76 [1] : vector<128x16x1xf32> to vector<128x1xf32>
    %mul3A_78 = arith.constant 3.125000e-02 : f32
    %mul3A_79 = vector.broadcast %mul3A_78 : f32 to vector<128x1xf32>
    %mul3A_80 = arith.mulf %reduce_sum3A_77, %mul3A_79 : vector<128x1xf32>
    %abs3A_81 = math.absf %select_n3A_71 : vector<2048x2xf32>
    %reduce_sum3A_82 = arith.constant dense<0.000000e+00> : vector<2048xf32>
    %reduce_sum3A_83 = vector.multi_reduction <add>, %abs3A_81, %reduce_sum3A_82 [1] : vector<2048x2xf32> to vector<2048xf32>
    %broadcast_in_dim3A_84 = vector.shape_cast %reduce_sum3A_83 : vector<2048xf32> to vector<2048x1xf32>
    %reshape3A_85 = vector.shape_cast %broadcast_in_dim3A_84 : vector<2048x1xf32> to vector<128x16x1xf32>
    %reduce_sum3A_86 = arith.constant dense<0.000000e+00> : vector<128x1xf32>
    %reduce_sum3A_87 = vector.multi_reduction <add>, %reshape3A_85, %reduce_sum3A_86 [1] : vector<128x16x1xf32> to vector<128x1xf32>
    %div3A_88 = arith.constant 1.000000e+00 : f32
    %div3A_89 = vector.broadcast %div3A_88 : f32 to vector<128x1xf32>
    %div3A_90 = arith.divf %div3A_89, %reduce_sum3A_87 : vector<128x1xf32>
    %broadcast_in_dim3A_91 = vector.shape_cast %mul3A_80 : vector<128x1xf32> to vector<128x1x1xf32>
    %broadcast_in_dim3A_92 = vector.shape_cast %broadcast_in_dim3A_91 : vector<128x1x1xf32> to vector<128x1x1xf32>
    %broadcast_in_dim3A_93 = vector.broadcast %broadcast_in_dim3A_92 : vector<128x1x1xf32> to vector<128x16x1xf32>
    %reshape3A_94 = vector.shape_cast %broadcast_in_dim3A_93 : vector<128x16x1xf32> to vector<2048x1xf32>
    %sub3A_95 = vector.broadcast %reshape3A_94 : vector<2048x1xf32> to vector<2048x2xf32>
    %sub3A_96 = arith.subf %select_n3A_71, %sub3A_95 : vector<2048x2xf32>
    %broadcast_in_dim3A_97 = vector.shape_cast %div3A_90 : vector<128x1xf32> to vector<128x1x1xf32>
    %broadcast_in_dim3A_98 = vector.shape_cast %broadcast_in_dim3A_97 : vector<128x1x1xf32> to vector<128x1x1xf32>
    %broadcast_in_dim3A_99 = vector.broadcast %broadcast_in_dim3A_98 : vector<128x1x1xf32> to vector<128x16x1xf32>
    %reshape3A_100 = vector.shape_cast %broadcast_in_dim3A_99 : vector<128x16x1xf32> to vector<2048x1xf32>
    %mul3A_101 = vector.broadcast %reshape3A_100 : vector<2048x1xf32> to vector<2048x2xf32>
    %mul3A_102 = arith.mulf %sub3A_96, %mul3A_101 : vector<2048x2xf32>
    %slice3A = vector.extract_strided_slice %mul3A_102 {offsets = [0, 0], sizes = [2048, 1], strides = [1, 1]} : vector<2048x2xf32> to vector<2048x1xf32>
    %slice3A_103 = vector.extract_strided_slice %mul3A_102 {offsets = [0, 1], sizes = [2048, 1], strides = [1, 1]} : vector<2048x2xf32> to vector<2048x1xf32>
    %broadcast_in_dim3A_104 = vector.shape_cast %slice3A : vector<2048x1xf32> to vector<2048x1xf32>
    %broadcast_in_dim3A_105 = vector.broadcast %broadcast_in_dim3A_104 : vector<2048x1xf32> to vector<2048x128xf32>
    %broadcast_in_dim3A_106 = vector.shape_cast %slice3A_103 : vector<2048x1xf32> to vector<2048x1xf32>
    %broadcast_in_dim3A_107 = vector.broadcast %broadcast_in_dim3A_106 : vector<2048x1xf32> to vector<2048x128xf32>
    %select_n3A_108 = arith.select %lt3A_16, %broadcast_in_dim3A_105, %broadcast_in_dim3A_107 : vector<2048x128xi1>, vector<2048x128xf32>
    %mul3A_109 = arith.mulf %get3A_1, %select_n3A_108 : vector<2048x128xf32>
    %reshape3A_110 = vector.shape_cast %mul3A_109 : vector<2048x128xf32> to vector<128x16x128xf32>
    %reduce_sum3A_111 = arith.constant dense<0.000000e+00> : vector<128x128xf32>
    %reduce_sum3A_112 = vector.multi_reduction <add>, %reshape3A_110, %reduce_sum3A_111 [1] : vector<128x16x128xf32> to vector<128x128xf32>
    %slice3A_113 = vector.extract_strided_slice %reduce_sum3A_112 {offsets = [0, 0], sizes = [128, 64], strides = [1, 1]} : vector<128x128xf32> to vector<128x64xf32>
    %slice3A_114 = vector.extract_strided_slice %reduce_sum3A_112 {offsets = [0, 64], sizes = [128, 64], strides = [1, 1]} : vector<128x128xf32> to vector<128x64xf32>
    %add3A_115 = arith.addf %slice3A_113, %slice3A_114 : vector<128x64xf32>
    %swap3A = arith.constant 0 : index
    %swap3A_116 = arith.constant 0 : index
    %swap3A_117 = vector.load %arg4[%swap3A, %swap3A_116] : memref<128x64xf32, #tpu.memory_space<vmem>>, vector<128x64xf32>
    tpu.vector_store %arg4[%swap3A, %swap3A_116], %add3A_115 {strides = array<i32>} : memref<128x64xf32, #tpu.memory_space<vmem>>, vector<128x64xf32>,
    return
  }
  func.func @transform_0(%arg0: i32) -> (i32, i32) {
    %c0_i32 = arith.constant 0 : i32
    %c0_i32_0 = arith.constant 0 : i32
    return %arg0, %c0_i32 : i32, i32
  }
  func.func @transform_1(%arg0: i32) -> (i32, i32) {
    %c0_i32 = arith.constant 0 : i32
    %c0_i32_0 = arith.constant 0 : i32
    return %arg0, %c0_i32 : i32, i32
  }
  func.func @transform_2(%arg0: i32) -> (i32, i32) {
    %c0_i32 = arith.constant 0 : i32
    %c0_i32_0 = arith.constant 0 : i32
    return %arg0, %c0_i32 : i32, i32
  }
  func.func @transform_3(%arg0: i32) -> (i32, i32) {
    %c0_i32 = arith.constant 0 : i32
    %c0_i32_0 = arith.constant 0 : i32
    return %arg0, %c0_i32 : i32, i32
  }
}

</mosaic_0001>

<sc_bundles>
// kernel: kernel.4.cloned.1.call-start
scs
__scs_entry_jumppad:
0x0: {  	(pc) =	sbr.rel $0x88, $3  }
0x1: {  	(tag) =	ssettag $0x0;
	lr =	simm.s32 $0x1  }
0x2: {  	[smem:$0x3F9D] =	sst lr;
	_ =	strace $0xD0000000  }
0x3: {  	_ = 	snop  }
0x4: {  	_ = 	snop  }
0x5: {  	_ = 	snop  }
0x6: {  	_ = 	snop  }
0x7: {  	_ = 	snop  }
__scs_overlays_trampoline_lowered:
0x8: {  	[smem:$0x3FAC] =	sst s0  }
0x9: {  	[smem:$0x3FAD] =	sst s1  }
0xa: {  	[smem:$0x3FAE] =	sst s2  }
0xb: {  	[smem:$0x3FAF] =	sst s3  }
0xc: {  	[smem:$0x3FB0] =	sst s4  }
0xd: {  	[smem:$0x3FB1] =	sst s5  }
0xe: {  	[smem:$0x3FB2] =	sst s6  }
0xf: {  	[smem:$0x3FB3] =	sst s7  }
0x10: {  	[smem:$0x3FB4] =	sst s8  }
0x11: {  	[smem:$0x3FB5] =	sst s9;
	s0 =	simm.s32 @!p0 $0x0  }
0x12: {  	s1 =	sld [smem:$0x3F9B];
	s0 =	simm.s32 @p0 $0x1  }
0x13: {  	[smem:$0x3FB6] =	sst s0;
	s0 =	simm.s32 @!p1 $0x0  }
0x14: {  	s2 =	sld [smem:$0x3F9A];
	s0 =	simm.s32 @p1 $0x1  }
0x15: {  	[smem:$0x3FB7] =	sst s0;
	s0 =	simm.s32 @!p2 $0x0  }
0x16: {  	s3 =	sld [smem:$0x3FDB];
	s0 =	simm.s32 @p2 $0x1  }
0x17: {  	s4 =	simm.s32 $0x1BF5;
	[smem:$0x3FB9] =	sst s0  }
0x18: {  	s0 =	sld [smem:$0x3F9C];
	_ =	swait.ge [sflag:s4], $0x0  }
0x19: {  	s7 =	sld [smem:$0x3F9D]  }
0x1a: {  	s8 =	sadd.s32 $0xFFFFE003, lr  }
0x1b: {  	s9 =	sadd.s32 $0xFFFFFEF7, lr;
	s5 =	simm.s32 $0xFFFFFFFF;
	p2 =	slt.u32 s8, $0xFFFFF086  }
0x1c: {  	p1 =	slt.u32 s9, $0xF7A;
	s5 =	simm.s32 @!p2 $0x0  }
0x1d: {  	s5 =	simm.s32 @p1 $0x1;
	p0 =	seq.s32 s7, s2  }
0x1e: {  	s7 =	smul.u32 @!p0 $0xF7A, s2;
	p2 =	seq.s32 @!p0 s5, $0x0  }
0x1f: {  	s9 =	smul.u32 $0xF7A, s1;
	s8 =	simm.s32 @!p0 $0x1BF5;
	p2 =	por !p2, p0  }
0x20: {  	[sflag:s8] =	ssyncset.s32 @!p0 $0xFFFFF086;
	s6 =	sadd.s32 @!p0 s3, s7;
	s7 =	simm.s32 @!p0 $0x108  }
0x21: {  	s3 =	sadd.s32 s3, s9;
	s6 =	sadd.s32 @!p0 $0x88, s6;
	s7 =	simm.s32 @p2 $0x1082  }
0x22: {  	[simem:s7], [sflag:s8] =	dma.local @!p0 [hbm:s6], $0xF7A  }
0x23: {  	s9 =	sor.u32 $0xD0000000, s2;
	s6 =	simm.s32 $0x108;
	_ =	swait.ge @!p0 [sflag:s8], $0x0  }
0x24: {  	s3 =	sadd.s32 $0x88, s3;
	s6 =	simm.s32 @!p1 $0x1082;
	[sflag:s4] =	ssyncset.s32 $0xFFFFF086  }
0x25: {  	[simem:s6], [sflag:s4] =	dma.local [hbm:s3], $0xF7A  }
0x26: {  	[smem:$0x3F9D] =	sst s1;
	(tag) =	ssettag s2;
	_ =	strace s9  }
0x27: {  	s1 =	sld [smem:$0x3FAD]  }
0x28: {  	s2 =	sld [smem:$0x3FAE]  }
0x29: {  	s4 =	sld [smem:$0x3FB0]  }
0x2a: {  	p0 =	seq.s32 s5, $0x0;
	s5 =	sld [smem:$0x3FB1]  }
0x2b: {  	s6 =	sld [smem:$0x3FB2]  }
0x2c: {  	s7 =	sld [smem:$0x3FB3]  }
0x2d: {  	s3 =	simm.s32 $0x108;
	s8 =	sld [smem:$0x3FB4]  }
0x2e: {  	s3 =	simm.s32 @!p0 $0x1082;
	s9 =	sld [smem:$0x3FB5]  }
0x2f: {  	lr =	sadd.s32 s0, s3;
	s0 =	sld [smem:$0x3FAC]  }
0x30: {  	s3 =	sld [smem:$0x3FAF]  }
0x31: {  	[smem:$0x3FB8] =	sst s10  }
0x32: {  	s10 =	sld [smem:$0x3FB6];
	_ =	sdelay $0x3  }
0x33: {  	p0 =	seq.s32 s10, $0x1;
	s10 =	sld [smem:$0x3FB8];
	_ =	sdelay $0x3  }
0x34: {  	[smem:$0x3FB8] =	sst s10  }
0x35: {  	s10 =	sld [smem:$0x3FB7];
	_ =	sdelay $0x3  }
0x36: {  	p1 =	seq.s32 s10, $0x1;
	s10 =	sld [smem:$0x3FB8];
	_ =	sdelay $0x3  }
0x37: {  	[smem:$0x3FB8] =	sst s10  }
0x38: {  	s10 =	sld [smem:$0x3FB9]  }
0x39: {  	_ = 	snop;
	(pc) =	sbr.ind lr, $3  }
0x3a: {  	_ = 	snop  }
0x3b: {  	_ = 	snop  }
0x3c: {  	p2 =	seq.s32 s10, $0x1;
	s10 =	sld [smem:$0x3FB8]  }
0x3d: {  	_ =	shalt  }
0x3e: {  	_ =	shalt  }
0x3f: {  	_ =	shalt  }
0x40: {  	_ =	shalt  }
0x41: {  	_ =	shalt  }
0x42: {  	_ =	shalt  }
0x43: {  	_ =	shalt  }
0x44: {  	_ =	shalt  }
0x45: {  	_ =	shalt  }
0x46: {  	_ =	shalt  }
0x47: {  	_ =	shalt  }
0x48: {  	_ =	shalt  }
0x49: {  	_ =	shalt  }
0x4a: {  	_ =	shalt  }
0x4b: {  	_ =	shalt  }
0x4c: {  	_ =	shalt  }
0x4d: {  	_ =	shalt  }
0x4e: {  	_ =	shalt  }
0x4f: {  	_ =	shalt  }
0x50: {  	_ =	shalt  }
0x51: {  	_ =	shalt  }
0x52: {  	_ =	shalt  }
0x53: {  	_ =	shalt  }
0x54: {  	_ =	shalt  }
0x55: {  	_ =	shalt  }
0x56: {  	_ =	shalt  }
0x57: {  	_ =	shalt  }
0x58: {  	_ =	shalt  }
0x59: {  	_ =	shalt  }
0x5a: {  	_ =	shalt  }
0x5b: {  	_ =	shalt  }
0x5c: {  	_ =	shalt  }
0x5d: {  	_ =	shalt  }
0x5e: {  	_ =	shalt  }
0x5f: {  	_ =	shalt  }
0x60: {  	_ =	shalt  }
0x61: {  	_ =	shalt  }
0x62: {  	_ =	shalt  }
0x63: {  	_ =	shalt  }
0x64: {  	_ =	shalt  }
0x65: {  	_ =	shalt  }
0x66: {  	_ =	shalt  }
0x67: {  	_ =	shalt  }
0x68: {  	_ =	shalt  }
0x69: {  	_ =	shalt  }
0x6a: {  	_ =	shalt  }
0x6b: {  	_ =	shalt  }
0x6c: {  	_ =	shalt  }
0x6d: {  	_ =	shalt  }
0x6e: {  	_ =	shalt  }
0x6f: {  	_ =	shalt  }
0x70: {  	_ =	shalt  }
0x71: {  	_ =	shalt  }
0x72: {  	_ =	shalt  }
0x73: {  	_ =	shalt  }
0x74: {  	_ =	shalt  }
0x75: {  	_ =	shalt  }
0x76: {  	_ =	shalt  }
0x77: {  	_ =	shalt  }
0x78: {  	_ =	shalt  }
0x79: {  	_ =	shalt  }
0x7a: {  	_ =	shalt  }
0x7b: {  	_ =	shalt  }
0x7c: {  	_ =	shalt  }
0x7d: {  	_ =	shalt  }
0x7e: {  	_ =	shalt  }
0x7f: {  	_ =	shalt  }
0x80: {  	_ =	shalt  }
0x81: {  	_ =	shalt  }
0x82: {  	_ =	shalt  }
0x83: {  	_ =	shalt  }
0x84: {  	_ =	shalt  }
0x85: {  	_ =	shalt  }
0x86: {  	_ =	shalt  }
0x87: {  	_ =	shalt  }
.Lfunc_end0:
.L_simem_size_0:
called_computation_lowered:
.L_overlay_start_0:
0x88: {  	s2 =	sld [smem:$0x3FD9]  }
0x89: {  	s3 =	sld [smem:$0x3FFE];
	_ =	sdelay $0x1  }
0x8a: {  	s1 =	srdreg.scid  }
0x8b: {  	s0 =	sand.u32 $0x1, s1  }
0x8c: {  	s17 =	sshll.u32 s0, $0xA;
	s2 =	sadd.s32 s3, s2  }
0x8d: {  	s2 =	sadd.s32 s2, s17  }
0x8e: {  	[smem:$0x3FC4] =	sst s2  }
0x8f: {  	_ = 	snop  }
0x90: {  	s2 =	sld [smem:$0x3FD0];
	(tm) =	ssettm $0x1  }
0x91: {  	s18 =	sld [smem:$0x3FFB];
	_ =	sdelay $0x3  }
0x92: {  	_ =	strace s18  }
0x93: {  	s3 =	sld [smem:$0x3FFC];
	_ =	sdelay $0x3  }
0x94: {  	_ =	strace s3  }
0x95: {  	s3 =	sld [smem:$0x3FFD];
	_ =	sdelay $0x3  }
0x96: {  	_ =	strace s3  }
0x97: {  	_ =	strace $0x8FFFFFFF  }
0x98: {  	s19 =	sld [smem:$0x3FDB];
	_ =	sdelay $0x1  }
0x99: {  	s4 =	simm.s32 $_scs_section_size  }
0x9a: {  	s5 =	simm.s32 $_size__tile_overlayer_lowered;
	s6 =	simm.s32 $_tile_overlayer_lowered  }
0x9b: {  	s22 =	simm.s32 $0x1BFF;
	s21 =	sshll.u32 s6, $0x1;
	s3 =	sadd.s32 s4, s19  }
0x9c: {  	s7 =	simm.s32 $0x0;
	s20 =	sshll.u32 s5, $0x1;
	s5 =	sadd.s32 s21, s3  }
0x9d: {  	[timem:s7], [sflag:s22] =	dma.local [hbm:s5], s20  }
0x9e: {  	_ =	swait.ge [sflag:s22], s20  }
0x9f: {  	s4 =	ssub.s32 $0x0, s20;
	[sflag:s22] =	ssyncset.done $0x0  }
0xa0: {  	[sflag:s22] =	ssyncadd.s32 s4;
	_ =	sdelay $0x1  }
0xa1: {  	s23 =	simm.s32 $0x1B8B  }
0xa2: {  	_ =	swait.ge [sflag:s23], $0x1  }
0xa3: {  	[sflag:s23] =	ssyncset.done $0x0  }
0xa4: {  	s25 =	simm.s32 $0x1B8E;
	s24 =	sld [smem:$0x3FFE];
	[sflag:s23] =	ssyncadd.s32 $0xFFFFFFFF  }
0xa5: {  	s26 =	simm.s32 $execute0_lowered;
	[smem:$0x3FD2] =	sst s25  }
0xa6: {  	s5 =	sshll.u32 s26, $0x1;
	_ =	strace $0x80000046;
	[dreg:$0x1] =	wrdreg $0xFFFFFFFF  }
0xa7: {  	s28 =	simm.s32 $_size_execute0_lowered;
	s3 =	sadd.s32 s3, s5;
	[dreg:$0x0] =	wrdreg $0x0  }
0xa8: {  	s5 =	sshll.u32 s28, $0x1;
	[dreg:$0x2] =	wrdreg s3  }
0xa9: {  	[dreg:$0x3] =	wrdreg s5  }
0xaa: {  	[dreg:$0x4] =	wrdreg $0xC0  }
0xab: {  	_ =	task [dreg:s7], $0x5FFFF  }
0xac: {  	[dreg:$0x1] =	wrdreg $0xFFFFFFFF  }
0xad: {  	[dreg:$0x0] =	wrdreg $0x60  }
0xae: {  	[dreg:$0x2] =	wrdreg s2  }
0xaf: {  	[dreg:$0x3] =	wrdreg s24  }
0xb0: {  	[dreg:$0x4] =	wrdreg $0x9  }
0xb1: {  	_ =	task.clear_ibuf [dreg:s7], $0x5FFFF;
	_ =	strace $0x90000046  }
0xb2: {  	s29 =	simm.s32 $0x9;
	_ =	strace $0x80000048  }
0xb3: {  	_ =	swait.ge [sflag:s29], $0x1  }
0xb4: {  	[sflag:s29] =	ssyncadd.s32 $0xFFFFFFFF  }
0xb5: {  	_ =	strace $0x90000048  }
0xb6: {  	_ =	sfence  }
0xb7: {  	s30 =	sld [smem:$0x0];
	_ =	sdelay $0x2  }
0xb8: {  	s31 =	sshll.u32 s1, $0xD;
	s1 =	sshrl.u32 s1, $0x2  }
0xb9: {  	s3 =	sand.u32 $0x4000, s31;
	s1 =	sadd.s32 s1, s30  }
0xba: {  	s0 =	sor.u32 s3, s0;
	s1 =	sshll.u32 s1, $0x11  }
0xbb: {  	s0 =	sor.u32 s1, s0  }
0xbc: {  	s0 =	sadd.s32 $0x8F2B, s0  }
0xbd: {  	[sflag:s0] =	ssyncadd.remote.s32 $0x1  }
0xbe: {  	_ =	sfence.sel $0xFFFF  }
0xbf: {  	[dreg:$0x0] =	wrdreg $0xFFFFFFFF;
	(pc) =	sbr.abs _section_cstart, $3  }
0xc0: {  	[dreg:$0x1] =	wrdreg $0xFFFFFFFF  }
0xc1: {  	_ =	task.clear_ibuf [dreg:s7], $0x2FFFF;
	_ =	strace $0x9FFFFFFF  }
0xc2: {  	(tm) =	ssettm $0x7FFFFFFF  }
0xc3: {  	_ =	shalt  }
tec
execute0_lowered:
.L_overlay_start_1:
0x0: {  	(tag) =	ssettag $0x1  }
0x1: {  	s4 =	rddreg [dreg:$0x0]  }
0x2: {  	s5 =	rddreg [dreg:$0x1]  }
0x3: {  	s0 =	rddreg [dreg:$0x2]  }
0x4: {  	s3 =	srdreg.scid;
	s2 =	simm.s32 $0x0;
	s1 =	stileid.u32  }
0x5: {  	s11 =	simm.s32 $0x1000;
	s12 =	simm.s32 $0x3000;
	s13 =	simm.s32 $0x80  }
0x6: {  	s14 =	simm.s32 $0x1;
	s15 =	simm.s32 $0x0;
	s6 =	sand.u32 $0x1, s3  }
0x7: {  	[smem:$0x7FF] =	sst s2;
	s29 =	sshll.u32 s1, $0x9;
	s9 =	sshll.u32 s1, $0x10  }
0x8: {  	s3 =	sadd.s32 $0x189400, s5;
	s7 =	sshll.u32 s6, $0x8;
	_ =	strace $0x80000047  }
0x9: {  	s10 =	ssub.s32 $0x2, s6;
	s9 =	sadd.s32 s9, s5;
	s7 =	sor.u32 s7, s29  }
0xa: {  	s31 =	sshll.u32 s6, $0xF;
	s30 =	sshrl.u32 s10, $0x1;
	s8 =	sadd.s32 s7, s5  }
0xb: {  	s10 =	ssub.s32 s10, s30;
	s4 =	sadd.s32 s4, s7;
	s7 =	sadd.s32 s31, s9  }
0xc: {  	s9 =	simm.s32 $0x800;
	s5 =	sadd.s32 $0xA00, s8;
	s6 =	smax.u32 s10, $0x1  }
0xd: {  	s7 =	sadd.s32 $0x2A08, s7;
	s8 =	simm.s32 $0x3;
	s10 =	simm.s32 $0x40  }
.LBB2_1:
0xe: {  	[tilespmem:s2], [sflag:$0x3] =	stream.linear.gather [hbm4b:s4+s2], $0x800, $0x38;
	[tilespmem:$0x5000] =	vst v63  }
0xf: {  	_ =	swait.ge [sflag:s8], $0x800  }
0x10: {  	[sflag:s8] =	ssyncset.done $0x0  }
0x11: {  	[sflag:s8] =	ssyncadd.s32 $0xFFFFF800  }
0x12: {  	[tilespmem:s9], [sflag:$0x3] =	stream.linear.gather [hbm4b:s5+s2], $0x800, $0x38;
	[tilespmem:$0x5000] =	vst v63  }
0x13: {  	_ =	swait.ge [sflag:s8], $0x800  }
0x14: {  	s16 =	simm.s32 $0x1;
	[sflag:s8] =	ssyncset.done $0x0  }
0x15: {  	s17 =	sand.u32 $0x1, s16;
	[sflag:s8] =	ssyncadd.s32 $0xFFFFF800  }
0x16: {  	[tilespmem:s11], [sflag:$0x1] =	stream.indirect.gather [hbm4b:s3+s10], $0x40, s2, s10, $0xb8;
	[tilespmem:$0x5000] =	vst v63  }
0x17: {  	s26 =	sand.u32 $0x1, s2;
	s18 =	smin.u32 s16, $0x1F;
	s19 =	sshll.u32 s17, $0xC  }
0x18: {  	[tilespmem:s12], [sflag:$0x1] =	stream.indirect.gather [hbm4b:s3+s10], $0x40, s9, s10, $0xb8;
	[tilespmem:$0x5000] =	vst v63  }
0x19: {  	s17 =	sadd.s32 $0x1, s17;
	s18 =	sshll.u32 s18, $0x6;
	s20 =	sadd.s32 $0x1000, s19  }
0x1a: {  	[tilespmem:s20], [sflag:s17] =	stream.indirect.gather [hbm4b:s3+s10], $0x40, s18, s10, $0xb8;
	[tilespmem:$0x5000] =	vst v63  }
0x1b: {  	s28 =	sadd.s32 $0x1, s26;
	s19 =	sadd.s32 $0x3000, s19;
	s18 =	sor.u32 $0x800, s18  }
0x1c: {  	[tilespmem:s19], [sflag:s17] =	stream.indirect.gather [hbm4b:s3+s10], $0x40, s18, s10, $0xb8;
	[tilespmem:$0x5000] =	vst v63  }
0x1d: {  	_ =	swait.ge [sflag:s28], $0x1000  }
0x1e: {  	[sflag:s28] =	ssyncset.done $0x0  }
0x1f: {  	[sflag:s28] =	ssyncadd.s32 $0xFFFFF000  }
0x20: {  	_ =	swait.ge [sflag:s28], $0x1000  }
0x21: {  	s29 =	sshll.u32 s26, $0xC;
	[sflag:s28] =	ssyncset.done $0x0  }
0x22: {  	s30 =	sadd.s32 $0xFFFFFFF8, s7;
	s31 =	sadd.s32 $0x1000, s29;
	[sflag:s28] =	ssyncadd.s32 $0xFFFFF000  }
0x23: {  	[hbm4b:s30+s10] =	stream.strided.scatter [tilespmem:s31], [sflag:$0x3], $0x1000, s13, s10, $0x38;
	[tilespmem:$0x5000] =	vst v63  }
0x24: {  	_ =	swait.ge [sflag:s8], $0x1000  }
0x25: {  	s18 =	sadd.s32 $0x3000, s29;
	s17 =	smov.u32 s7;
	[sflag:s8] =	ssyncset.done $0x0  }
.LBB2_2:
0x26: {  	p0 =	sne.s32 s16, $0x1F  }
0x27: {  	[sflag:s8] =	ssyncadd.s32 $0xFFFFF000;
	s19 =	smov.u32 s16;
	s16 =	sadd.s32 $0x1, s16  }
0x28: {  	[hbm4b:s17+s10] =	stream.strided.scatter [tilespmem:s18], [sflag:$0x3], $0x1000, s13, s10, $0x38;
	[tilespmem:$0x5000] =	vst v63  }
0x29: {  	s18 =	sand.u32 $0x1, s16;
	s20 =	smin.u32 s16, $0x1F;
	_ =	swait.ge [sflag:s8], $0x1000  }
0x2a: {  	s21 =	sshll.u32 s18, $0xC;
	s18 =	sadd.s32 $0x1, s18;
	[sflag:s8] =	ssyncset.done $0x0  }
0x2b: {  	s20 =	sshll.u32 s20, $0x6;
	s22 =	sadd.s32 $0x1000, s21;
	[sflag:s8] =	ssyncadd.s32 $0xFFFFF000  }
0x2c: {  	[tilespmem:s22], [sflag:s18] =	stream.indirect.gather [hbm4b:s3+s10], $0x40, s20, s10, $0xb8;
	[tilespmem:$0x5000] =	vst v63  }
0x2d: {  	s19 =	sand.u32 $0x1, s19;
	s21 =	sadd.s32 $0x3000, s21;
	s20 =	sor.u32 $0x800, s20  }
0x2e: {  	[tilespmem:s21], [sflag:s18] =	stream.indirect.gather [hbm4b:s3+s10], $0x40, s20, s10, $0xb8;
	[tilespmem:$0x5000] =	vst v63  }
0x2f: {  	s20 =	sadd.s32 $0x1, s19;
	s19 =	sshll.u32 s19, $0xC  }
0x30: {  	s18 =	sadd.s32 $0x3000, s19;
	_ =	swait.ge [sflag:s20], $0x1000  }
0x31: {  	[sflag:s20] =	ssyncset.done $0x0  }
0x32: {  	s17 =	sadd.s32 $0x400, s17;
	[sflag:s20] =	ssyncadd.s32 $0xFFFFF000  }
0x33: {  	_ =	swait.ge [sflag:s20], $0x1000  }
.Ltmp0:
0x34: {  	[sflag:s20] =	ssyncset.done $0x0;
	(pc) =	sbr.rel @p0 .LBB2_2-.Ltmp0, $4  }
0x35: {  	s19 =	sadd.s32 $0x1000, s19;
	[sflag:s20] =	ssyncadd.s32 $0xFFFFF000;
	s20 =	sadd.s32 $0xFFFFFFF8, s17  }
0x36: {  	[hbm4b:s20+s10] =	stream.strided.scatter [tilespmem:s19], [sflag:$0x3], $0x1000, s13, s10, $0x38;
	[tilespmem:$0x5000] =	vst v63  }
0x37: {  	_ =	swait.ge [sflag:s8], $0x1000  }
0x38: {  	[sflag:s8] =	ssyncset.done $0x0  }
0x39: {  	[sflag:s8] =	ssyncadd.s32 $0xFFFFF000  }
0x3a: {  	[hbm4b:s17+s10] =	stream.strided.scatter [tilespmem:s18], [sflag:$0x3], $0x1000, s13, s10, $0x38;
	[tilespmem:$0x5000] =	vst v63  }
0x3b: {  	_ =	swait.ge [sflag:s8], $0x1000  }
0x3c: {  	[sflag:s8] =	ssyncset.done $0x0  }
0x3d: {  	s15 =	sadd.s32 $0x1, s15;
	[sflag:s8] =	ssyncadd.s32 $0xFFFFF000  }
0x3e: {  	p0 =	sne.s32 s15, s6;
	_ =	swait.ge [sflag:s14], $0x1000  }
.Ltmp1:
0x3f: {  	[sflag:s14] =	ssyncset.done $0x0;
	(pc) =	sbr.rel @p0 .LBB2_1-.Ltmp1, $4  }
0x40: {  	[sflag:s14] =	ssyncadd.s32 $0xFFFFF000  }
0x41: {  	_ =	swait.ge [sflag:s14], $0x1000  }
0x42: {  	[sflag:s14] =	ssyncset.done $0x0  }
0x43: {  	[sflag:s14] =	ssyncadd.s32 $0xFFFFF000  }
0x44: {  	_ =	sfence.sel $0x180000  }
0x45: {  	[bflag:$0x0] =	sbarrier.arrive $0xFFFF  }
0x46: {  	p0 =	sne.s32 s1, $0x0;
	_ =	strace $0x90000047  }
0x47: {  	s0 =	sadd.s32 @!p0 $0x100000, s0;
	[bflag:$0x2] =	sbarrier.arrive $0xFFFF  }
0x48: {  	[sflag:s0] =	ssyncadd.tile.s32 @!p0 $0x1;
	_ =	shalt  }
.Lfunc_end2:
_tile_overlayer_lowered:
.L_overlay_start_2:
0x49: {  	(tag) =	ssettag $0x2  }
0x4a: {  	s0 =	rddreg [dreg:$0x0];
	s2 =	stileid.u32  }
0x4b: {  	s1 =	rddreg [dreg:$0x1];
	p0 =	sne.s32 s2, $0x0  }
0x4c: {  	s3 =	rddreg [dreg:$0x2];
	[bflag:$0x3] =	sbarrier.arrive $0xFFFF;
	s2 =	simm.s32 @!p0 $0x1C03  }
0x4d: {  	[timem:s3], [sflag:s2] =	dma.local @!p0 [hbm:s0], s1  }
0x4e: {  	s0 =	simm.s32 @!p0 $0x3  }
0x4f: {  	_ =	swait.ge @!p0 [sflag:s0], s1  }
0x50: {  	s1 =	ssub.s32 @!p0 $0x0, s1;
	[sflag:s0] =	ssyncset.done @!p0 $0x0  }
0x51: {  	[sflag:s0] =	ssyncadd.s32 @!p0 s1  }
0x52: {  	[bflag:$0x3] =	sbarrier.arrive $0xFFFF  }
0x53: {  	_ =	shalt  }

</sc_bundles>
